<compile_context>
chip_gen: v7x
topology: tpu7x:2x2x1
jax: 0.10.2.dev20260603
libtpu: 0.0.44.dev20260713+nightly
codegen_flags: <defaults>
</compile_context>

<pallas_src>
import functools

import jax
import jax.numpy as jnp
from jax import lax
from jax.experimental import pallas as pl
from jax.experimental.pallas import tpu as pltpu
from jax.experimental.pallas import tpu_sc as plsc

_B = 16384
_V = 50
_VPAD = 64
_L = 16
_NC = 1
_NS = 16
_NW = _NC * _NS
_BPW = _B // _NW
_CHUNKS = _BPW // _L

_LN2 = 0.6931471805599453


def _log_vec(x):
    bits = lax.bitcast_convert_type(x, jnp.int32)
    e = (bits >> 23) - 127
    m = lax.bitcast_convert_type((bits & 0x7FFFFF) | 0x3F800000, jnp.float32)
    s = (m - 1.0) / (m + 1.0)
    s2 = s * s
    poly = ((((1.0 / 9.0) * s2 + 1.0 / 7.0) * s2 + 1.0 / 5.0) * s2
            + 1.0 / 3.0) * s2 + 1.0
    return e.astype(jnp.float32) * _LN2 + 2.0 * s * poly


_mesh = plsc.VectorSubcoreMesh(
    core_axis_name="c", subcore_axis_name="s", num_cores=_NC)


@functools.partial(
    pl.kernel,
    out_type=jax.ShapeDtypeStruct((_B,), jnp.float32),
    mesh=_mesh,
    compiler_params=pltpu.CompilerParams(needs_layout_passes=False),
    scratch_types=[
        pltpu.VMEM((_VPAD,), jnp.float32),
        pltpu.VMEM((_VPAD,), jnp.float32),
        pltpu.VMEM((_BPW,), jnp.int32),
        pltpu.VMEM((_BPW,), jnp.float32),
        pltpu.SemaphoreType.DMA,
    ],
)
def _log_prob_gather(prob_hbm, idx_hbm, out_hbm,
                     prob_v, tab_v, idx_v, out_v, sem):
    wid = lax.axis_index("s") * _NC + lax.axis_index("c")
    base = wid * _BPW
    idx_dma = pltpu.async_copy(idx_hbm.at[pl.ds(base, _BPW)], idx_v, sem)
    pltpu.sync_copy(prob_hbm, prob_v.at[pl.ds(0, _V)])
    for t in range(_VPAD // _L):
        x = prob_v[pl.ds(t * _L, _L)] + 1e-30
        tab_v[pl.ds(t * _L, _L)] = _log_vec(x)
    idx_dma.wait()

    def _gather_chunk(i, carry):
        iv = idx_v[pl.ds(i * _L, _L)]
        out_v[pl.ds(i * _L, _L)] = plsc.load_gather(tab_v, [iv])
        return carry

    lax.fori_loop(0, _CHUNKS, _gather_chunk, 0)
    pltpu.sync_copy(out_v, out_hbm.at[pl.ds(base, _BPW)])


def kernel(prob, batch_n_nodes):
    return _log_prob_gather(prob, batch_n_nodes)

# --- scband reference (transcript-rebuilt; emitter-appended) ---
"""Pipeline reference for scband-distribution-nodes-88476326297736 (READ-ONLY COPY).

The authoritative reference and input builder live on the scoring server;
editing this copy changes nothing except your own understanding.
"""

import jax, jax.numpy as jnp
import numpy as np

# Histogram counts for node sizes 5..54 (same literal values as the torch init_kwargs dict)
_COUNTS = np.array([221, 282, 356, 446, 552, 678, 823, 990, 1180, 1391, 1624, 1878, 2149, 2435, 2731, 3034, 3336, 3632, 3915, 4177, 4413, 4617, 4781, 4902, 4976, 5001, 4976, 4902, 4781, 4617, 4413, 4177, 3915, 3632, 3336, 3034, 2731, 2435, 2149, 1878, 1624, 1391, 1180, 990, 823, 678, 552, 446, 356, 282], dtype=np.float64)


def setup_inputs(seed: int = 0) -> dict:
    key = jax.random.key(seed)
    # prob buffer exactly as DistributionNodes.__init__ builds it: counts normalized, cast float32
    prob = jnp.asarray(_COUNTS / _COUNTS.sum(), dtype=jnp.float32)
    # batch of node counts used as positional indices into prob (as in the torch code)
    batch_n_nodes = jax.random.randint(key, (16384,), 0, 50, dtype=jnp.int32)
    return {"prob": prob, "batch_n_nodes": batch_n_nodes}


def reference(prob, batch_n_nodes):
    # DistributionNodes.log_prob: log_p = log(prob + 1e-30); gather log_p[batch_n_nodes]
    log_p = jnp.log(prob + 1e-30)
    log_probs = jnp.take(log_p, batch_n_nodes, axis=0)
    return log_probs

if __name__ == "__main__":
    import jax
    _d = setup_inputs()
    print(jax.jit(kernel)(*tuple(_d.values())))

</pallas_src>

<mosaic_0001>
#map = affine_map<(d0, d1) -> (0)>
module attributes {stable_mosaic.version = 14 : i64} {
  func.func @_log_prob_gather(%arg0: i32, %arg1: i32, %arg2: memref<50xf32, #tpu.memory_space<hbm>>, %arg3: memref<16384xi32, #tpu.memory_space<hbm>>, %arg4: memref<16384xf32, #tpu.memory_space<hbm>>, %arg5: memref<64xf32, #tpu.memory_space<vmem>>, %arg6: memref<64xf32, #tpu.memory_space<vmem>>, %arg7: memref<1024xi32, #tpu.memory_space<vmem>>, %arg8: memref<1024xf32, #tpu.memory_space<vmem>>, %arg9: memref<!tpu.dma_semaphore, #tpu.memory_space<semaphore_mem>>) attributes {dimension_semantics = [#tpu.dimension_semantics<core_parallel>, #tpu.dimension_semantics<subcore_parallel>], iteration_bounds = array<i64: 1, 16>, scalar_prefetch = 0 : i64, scratch_operands = 5 : i64, tpu.core_type = #tpu.core_type<sc_vector_subcore>, window_params = [{transform_indices = #map}, {transform_indices = #map}, {transform_indices = #map}]} {
    %mul3A = arith.constant 1 : i32
    %mul3A_0 = arith.muli %arg1, %mul3A : i32
    %add3A = arith.addi %mul3A_0, %arg0 : i32
    %mul3A_1 = arith.constant 1024 : i32
    %mul3A_2 = arith.muli %add3A, %mul3A_1 : i32
    %dma_start3A = tpu.memref_slice %arg3[%mul3A_2] : memref<16384xi32, #tpu.memory_space<hbm>> -> memref<1024xi32, #tpu.memory_space<hbm>>
    %dma_start3A_3 = tpu.memref_slice %arg3[%mul3A_2] : memref<16384xi32, #tpu.memory_space<hbm>> -> memref<1024xi32, #tpu.memory_space<hbm>>
    tpu.enqueue_dma source(%dma_start3A_3 : memref<1024xi32, #tpu.memory_space<hbm>>) target(%arg7 : memref<1024xi32, #tpu.memory_space<vmem>>) target_semaphore(%arg9 : memref<!tpu.dma_semaphore, #tpu.memory_space<semaphore_mem>>)
    "tpu.region"() ({
      %run_scoped3A = tpu.sem_alloc : memref<!tpu.dma_semaphore, #tpu.memory_space<semaphore_mem>>
      %dma_start3A_225 = arith.constant 0 : i32
      %dma_start3A_226 = tpu.memref_slice %arg5[%dma_start3A_225] : memref<64xf32, #tpu.memory_space<vmem>> -> memref<50xf32, #tpu.memory_space<vmem>>
      %dma_start3A_227 = arith.constant 0 : i32
      %dma_start3A_228 = tpu.memref_slice %arg5[%dma_start3A_227] : memref<64xf32, #tpu.memory_space<vmem>> -> memref<50xf32, #tpu.memory_space<vmem>>
      tpu.enqueue_dma source(%arg2 : memref<50xf32, #tpu.memory_space<hbm>>) target(%dma_start3A_228 : memref<50xf32, #tpu.memory_space<vmem>>) target_semaphore(%run_scoped3A : memref<!tpu.dma_semaphore, #tpu.memory_space<semaphore_mem>>)
      %dma_wait3A_229 = arith.constant 0 : i32
      %dma_wait3A_230 = tpu.memref_slice %arg5[%dma_wait3A_229] : memref<64xf32, #tpu.memory_space<vmem>> -> memref<50xf32, #tpu.memory_space<vmem>>
      %dma_wait3A_231 = arith.constant 0 : i32
      %dma_wait3A_232 = tpu.memref_slice %arg5[%dma_wait3A_231] : memref<64xf32, #tpu.memory_space<vmem>> -> memref<50xf32, #tpu.memory_space<vmem>>
      tpu.wait_dma2 semaphore(%run_scoped3A : memref<!tpu.dma_semaphore, #tpu.memory_space<semaphore_mem>>) src(%arg2 : memref<50xf32, #tpu.memory_space<hbm>>) dst(%dma_wait3A_232 : memref<50xf32, #tpu.memory_space<vmem>>)
      tpu.yield
    }) : () -> ()
    %get3A = arith.constant 0 : index
    %get3A_4 = tpu.vector_load %arg5[%get3A] {strides = array<i32>} : memref<64xf32, #tpu.memory_space<vmem>>, vector<16xf32>,
    %add3A_5 = arith.constant 1.000000e-30 : f32
    %add3A_6 = vector.broadcast %add3A_5 : f32 to vector<16xf32>
    %add3A_7 = arith.addf %get3A_4, %add3A_6 : vector<16xf32>
    %bitcast_convert_type3A = tpu.bitcast %add3A_7 : vector<16xf32> -> vector<16xi32>
    %shift_right_arithmetic3A = arith.constant 23 : i32
    %shift_right_arithmetic3A_8 = vector.broadcast %shift_right_arithmetic3A : i32 to vector<16xi32>
    %shift_right_arithmetic3A_9 = arith.shrsi %bitcast_convert_type3A, %shift_right_arithmetic3A_8 : vector<16xi32>
    %sub3A = arith.constant 127 : i32
    %sub3A_10 = vector.broadcast %sub3A : i32 to vector<16xi32>
    %sub3A_11 = arith.subi %shift_right_arithmetic3A_9, %sub3A_10 : vector<16xi32>
    %and3A = arith.constant 8388607 : i32
    %and3A_12 = vector.broadcast %and3A : i32 to vector<16xi32>
    %and3A_13 = arith.andi %bitcast_convert_type3A, %and3A_12 : vector<16xi32>
    %or3A = arith.constant 1065353216 : i32
    %or3A_14 = vector.broadcast %or3A : i32 to vector<16xi32>
    %or3A_15 = arith.ori %and3A_13, %or3A_14 : vector<16xi32>
    %bitcast_convert_type3A_16 = tpu.bitcast %or3A_15 : vector<16xi32> -> vector<16xf32>
    %sub3A_17 = arith.constant 1.000000e+00 : f32
    %sub3A_18 = vector.broadcast %sub3A_17 : f32 to vector<16xf32>
    %sub3A_19 = arith.subf %bitcast_convert_type3A_16, %sub3A_18 : vector<16xf32>
    %add3A_20 = arith.constant 1.000000e+00 : f32
    %add3A_21 = vector.broadcast %add3A_20 : f32 to vector<16xf32>
    %add3A_22 = arith.addf %bitcast_convert_type3A_16, %add3A_21 : vector<16xf32>
    %div3A = arith.divf %sub3A_19, %add3A_22 : vector<16xf32>
    %mul3A_23 = arith.mulf %div3A, %div3A : vector<16xf32>
    %mul3A_24 = arith.constant 0.111111112 : f32
    %mul3A_25 = vector.broadcast %mul3A_24 : f32 to vector<16xf32>
    %mul3A_26 = arith.mulf %mul3A_25, %mul3A_23 : vector<16xf32>
    %add3A_27 = arith.constant 0.142857149 : f32
    %add3A_28 = vector.broadcast %add3A_27 : f32 to vector<16xf32>
    %add3A_29 = arith.addf %mul3A_26, %add3A_28 : vector<16xf32>
    %mul3A_30 = arith.mulf %add3A_29, %mul3A_23 : vector<16xf32>
    %add3A_31 = arith.constant 2.000000e-01 : f32
    %add3A_32 = vector.broadcast %add3A_31 : f32 to vector<16xf32>
    %add3A_33 = arith.addf %mul3A_30, %add3A_32 : vector<16xf32>
    %mul3A_34 = arith.mulf %add3A_33, %mul3A_23 : vector<16xf32>
    %add3A_35 = arith.constant 0.333333343 : f32
    %add3A_36 = vector.broadcast %add3A_35 : f32 to vector<16xf32>
    %add3A_37 = arith.addf %mul3A_34, %add3A_36 : vector<16xf32>
    %mul3A_38 = arith.mulf %add3A_37, %mul3A_23 : vector<16xf32>
    %add3A_39 = arith.constant 1.000000e+00 : f32
    %add3A_40 = vector.broadcast %add3A_39 : f32 to vector<16xf32>
    %add3A_41 = arith.addf %mul3A_38, %add3A_40 : vector<16xf32>
    %convert_element_type3A = arith.sitofp %sub3A_11 : vector<16xi32> to vector<16xf32>
    %mul3A_42 = arith.constant 0.693147182 : f32
    %mul3A_43 = vector.broadcast %mul3A_42 : f32 to vector<16xf32>
    %mul3A_44 = arith.mulf %convert_element_type3A, %mul3A_43 : vector<16xf32>
    %mul3A_45 = arith.constant 2.000000e+00 : f32
    %mul3A_46 = vector.broadcast %mul3A_45 : f32 to vector<16xf32>
    %mul3A_47 = arith.mulf %mul3A_46, %div3A : vector<16xf32>
    %mul3A_48 = arith.mulf %mul3A_47, %add3A_41 : vector<16xf32>
    %add3A_49 = arith.addf %mul3A_44, %mul3A_48 : vector<16xf32>
    %swap3A = arith.constant 0 : index
    %swap3A_50 = tpu.vector_load %arg6[%swap3A] {strides = array<i32>} : memref<64xf32, #tpu.memory_space<vmem>>, vector<16xf32>,
    tpu.vector_store %arg6[%swap3A], %add3A_49 {strides = array<i32>} : memref<64xf32, #tpu.memory_space<vmem>>, vector<16xf32>,
    %get3A_51 = arith.constant 16 : index
    %get3A_52 = tpu.vector_load %arg5[%get3A_51] {strides = array<i32>} : memref<64xf32, #tpu.memory_space<vmem>>, vector<16xf32>,
    %add3A_53 = arith.constant 1.000000e-30 : f32
    %add3A_54 = vector.broadcast %add3A_53 : f32 to vector<16xf32>
    %add3A_55 = arith.addf %get3A_52, %add3A_54 : vector<16xf32>
    %bitcast_convert_type3A_56 = tpu.bitcast %add3A_55 : vector<16xf32> -> vector<16xi32>
    %shift_right_arithmetic3A_57 = arith.constant 23 : i32
    %shift_right_arithmetic3A_58 = vector.broadcast %shift_right_arithmetic3A_57 : i32 to vector<16xi32>
    %shift_right_arithmetic3A_59 = arith.shrsi %bitcast_convert_type3A_56, %shift_right_arithmetic3A_58 : vector<16xi32>
    %sub3A_60 = arith.constant 127 : i32
    %sub3A_61 = vector.broadcast %sub3A_60 : i32 to vector<16xi32>
    %sub3A_62 = arith.subi %shift_right_arithmetic3A_59, %sub3A_61 : vector<16xi32>
    %and3A_63 = arith.constant 8388607 : i32
    %and3A_64 = vector.broadcast %and3A_63 : i32 to vector<16xi32>
    %and3A_65 = arith.andi %bitcast_convert_type3A_56, %and3A_64 : vector<16xi32>
    %or3A_66 = arith.constant 1065353216 : i32
    %or3A_67 = vector.broadcast %or3A_66 : i32 to vector<16xi32>
    %or3A_68 = arith.ori %and3A_65, %or3A_67 : vector<16xi32>
    %bitcast_convert_type3A_69 = tpu.bitcast %or3A_68 : vector<16xi32> -> vector<16xf32>
    %sub3A_70 = arith.constant 1.000000e+00 : f32
    %sub3A_71 = vector.broadcast %sub3A_70 : f32 to vector<16xf32>
    %sub3A_72 = arith.subf %bitcast_convert_type3A_69, %sub3A_71 : vector<16xf32>
    %add3A_73 = arith.constant 1.000000e+00 : f32
    %add3A_74 = vector.broadcast %add3A_73 : f32 to vector<16xf32>
    %add3A_75 = arith.addf %bitcast_convert_type3A_69, %add3A_74 : vector<16xf32>
    %div3A_76 = arith.divf %sub3A_72, %add3A_75 : vector<16xf32>
    %mul3A_77 = arith.mulf %div3A_76, %div3A_76 : vector<16xf32>
    %mul3A_78 = arith.constant 0.111111112 : f32
    %mul3A_79 = vector.broadcast %mul3A_78 : f32 to vector<16xf32>
    %mul3A_80 = arith.mulf %mul3A_79, %mul3A_77 : vector<16xf32>
    %add3A_81 = arith.constant 0.142857149 : f32
    %add3A_82 = vector.broadcast %add3A_81 : f32 to vector<16xf32>
    %add3A_83 = arith.addf %mul3A_80, %add3A_82 : vector<16xf32>
    %mul3A_84 = arith.mulf %add3A_83, %mul3A_77 : vector<16xf32>
    %add3A_85 = arith.constant 2.000000e-01 : f32
    %add3A_86 = vector.broadcast %add3A_85 : f32 to vector<16xf32>
    %add3A_87 = arith.addf %mul3A_84, %add3A_86 : vector<16xf32>
    %mul3A_88 = arith.mulf %add3A_87, %mul3A_77 : vector<16xf32>
    %add3A_89 = arith.constant 0.333333343 : f32
    %add3A_90 = vector.broadcast %add3A_89 : f32 to vector<16xf32>
    %add3A_91 = arith.addf %mul3A_88, %add3A_90 : vector<16xf32>
    %mul3A_92 = arith.mulf %add3A_91, %mul3A_77 : vector<16xf32>
    %add3A_93 = arith.constant 1.000000e+00 : f32
    %add3A_94 = vector.broadcast %add3A_93 : f32 to vector<16xf32>
    %add3A_95 = arith.addf %mul3A_92, %add3A_94 : vector<16xf32>
    %convert_element_type3A_96 = arith.sitofp %sub3A_62 : vector<16xi32> to vector<16xf32>
    %mul3A_97 = arith.constant 0.693147182 : f32
    %mul3A_98 = vector.broadcast %mul3A_97 : f32 to vector<16xf32>
    %mul3A_99 = arith.mulf %convert_element_type3A_96, %mul3A_98 : vector<16xf32>
    %mul3A_100 = arith.constant 2.000000e+00 : f32
    %mul3A_101 = vector.broadcast %mul3A_100 : f32 to vector<16xf32>
    %mul3A_102 = arith.mulf %mul3A_101, %div3A_76 : vector<16xf32>
    %mul3A_103 = arith.mulf %mul3A_102, %add3A_95 : vector<16xf32>
    %add3A_104 = arith.addf %mul3A_99, %mul3A_103 : vector<16xf32>
    %swap3A_105 = arith.constant 16 : index
    %swap3A_106 = tpu.vector_load %arg6[%swap3A_105] {strides = array<i32>} : memref<64xf32, #tpu.memory_space<vmem>>, vector<16xf32>,
    tpu.vector_store %arg6[%swap3A_105], %add3A_104 {strides = array<i32>} : memref<64xf32, #tpu.memory_space<vmem>>, vector<16xf32>,
    %get3A_107 = arith.constant 32 : index
    %get3A_108 = tpu.vector_load %arg5[%get3A_107] {strides = array<i32>} : memref<64xf32, #tpu.memory_space<vmem>>, vector<16xf32>,
    %add3A_109 = arith.constant 1.000000e-30 : f32
    %add3A_110 = vector.broadcast %add3A_109 : f32 to vector<16xf32>
    %add3A_111 = arith.addf %get3A_108, %add3A_110 : vector<16xf32>
    %bitcast_convert_type3A_112 = tpu.bitcast %add3A_111 : vector<16xf32> -> vector<16xi32>
    %shift_right_arithmetic3A_113 = arith.constant 23 : i32
    %shift_right_arithmetic3A_114 = vector.broadcast %shift_right_arithmetic3A_113 : i32 to vector<16xi32>
    %shift_right_arithmetic3A_115 = arith.shrsi %bitcast_convert_type3A_112, %shift_right_arithmetic3A_114 : vector<16xi32>
    %sub3A_116 = arith.constant 127 : i32
    %sub3A_117 = vector.broadcast %sub3A_116 : i32 to vector<16xi32>
    %sub3A_118 = arith.subi %shift_right_arithmetic3A_115, %sub3A_117 : vector<16xi32>
    %and3A_119 = arith.constant 8388607 : i32
    %and3A_120 = vector.broadcast %and3A_119 : i32 to vector<16xi32>
    %and3A_121 = arith.andi %bitcast_convert_type3A_112, %and3A_120 : vector<16xi32>
    %or3A_122 = arith.constant 1065353216 : i32
    %or3A_123 = vector.broadcast %or3A_122 : i32 to vector<16xi32>
    %or3A_124 = arith.ori %and3A_121, %or3A_123 : vector<16xi32>
    %bitcast_convert_type3A_125 = tpu.bitcast %or3A_124 : vector<16xi32> -> vector<16xf32>
    %sub3A_126 = arith.constant 1.000000e+00 : f32
    %sub3A_127 = vector.broadcast %sub3A_126 : f32 to vector<16xf32>
    %sub3A_128 = arith.subf %bitcast_convert_type3A_125, %sub3A_127 : vector<16xf32>
    %add3A_129 = arith.constant 1.000000e+00 : f32
    %add3A_130 = vector.broadcast %add3A_129 : f32 to vector<16xf32>
    %add3A_131 = arith.addf %bitcast_convert_type3A_125, %add3A_130 : vector<16xf32>
    %div3A_132 = arith.divf %sub3A_128, %add3A_131 : vector<16xf32>
    %mul3A_133 = arith.mulf %div3A_132, %div3A_132 : vector<16xf32>
    %mul3A_134 = arith.constant 0.111111112 : f32
    %mul3A_135 = vector.broadcast %mul3A_134 : f32 to vector<16xf32>
    %mul3A_136 = arith.mulf %mul3A_135, %mul3A_133 : vector<16xf32>
    %add3A_137 = arith.constant 0.142857149 : f32
    %add3A_138 = vector.broadcast %add3A_137 : f32 to vector<16xf32>
    %add3A_139 = arith.addf %mul3A_136, %add3A_138 : vector<16xf32>
    %mul3A_140 = arith.mulf %add3A_139, %mul3A_133 : vector<16xf32>
    %add3A_141 = arith.constant 2.000000e-01 : f32
    %add3A_142 = vector.broadcast %add3A_141 : f32 to vector<16xf32>
    %add3A_143 = arith.addf %mul3A_140, %add3A_142 : vector<16xf32>
    %mul3A_144 = arith.mulf %add3A_143, %mul3A_133 : vector<16xf32>
    %add3A_145 = arith.constant 0.333333343 : f32
    %add3A_146 = vector.broadcast %add3A_145 : f32 to vector<16xf32>
    %add3A_147 = arith.addf %mul3A_144, %add3A_146 : vector<16xf32>
    %mul3A_148 = arith.mulf %add3A_147, %mul3A_133 : vector<16xf32>
    %add3A_149 = arith.constant 1.000000e+00 : f32
    %add3A_150 = vector.broadcast %add3A_149 : f32 to vector<16xf32>
    %add3A_151 = arith.addf %mul3A_148, %add3A_150 : vector<16xf32>
    %convert_element_type3A_152 = arith.sitofp %sub3A_118 : vector<16xi32> to vector<16xf32>
    %mul3A_153 = arith.constant 0.693147182 : f32
    %mul3A_154 = vector.broadcast %mul3A_153 : f32 to vector<16xf32>
    %mul3A_155 = arith.mulf %convert_element_type3A_152, %mul3A_154 : vector<16xf32>
    %mul3A_156 = arith.constant 2.000000e+00 : f32
    %mul3A_157 = vector.broadcast %mul3A_156 : f32 to vector<16xf32>
    %mul3A_158 = arith.mulf %mul3A_157, %div3A_132 : vector<16xf32>
    %mul3A_159 = arith.mulf %mul3A_158, %add3A_151 : vector<16xf32>
    %add3A_160 = arith.addf %mul3A_155, %mul3A_159 : vector<16xf32>
    %swap3A_161 = arith.constant 32 : index
    %swap3A_162 = tpu.vector_load %arg6[%swap3A_161] {strides = array<i32>} : memref<64xf32, #tpu.memory_space<vmem>>, vector<16xf32>,
    tpu.vector_store %arg6[%swap3A_161], %add3A_160 {strides = array<i32>} : memref<64xf32, #tpu.memory_space<vmem>>, vector<16xf32>,
    %get3A_163 = arith.constant 48 : index
    %get3A_164 = tpu.vector_load %arg5[%get3A_163] {strides = array<i32>} : memref<64xf32, #tpu.memory_space<vmem>>, vector<16xf32>,
    %add3A_165 = arith.constant 1.000000e-30 : f32
    %add3A_166 = vector.broadcast %add3A_165 : f32 to vector<16xf32>
    %add3A_167 = arith.addf %get3A_164, %add3A_166 : vector<16xf32>
    %bitcast_convert_type3A_168 = tpu.bitcast %add3A_167 : vector<16xf32> -> vector<16xi32>
    %shift_right_arithmetic3A_169 = arith.constant 23 : i32
    %shift_right_arithmetic3A_170 = vector.broadcast %shift_right_arithmetic3A_169 : i32 to vector<16xi32>
    %shift_right_arithmetic3A_171 = arith.shrsi %bitcast_convert_type3A_168, %shift_right_arithmetic3A_170 : vector<16xi32>
    %sub3A_172 = arith.constant 127 : i32
    %sub3A_173 = vector.broadcast %sub3A_172 : i32 to vector<16xi32>
    %sub3A_174 = arith.subi %shift_right_arithmetic3A_171, %sub3A_173 : vector<16xi32>
    %and3A_175 = arith.constant 8388607 : i32
    %and3A_176 = vector.broadcast %and3A_175 : i32 to vector<16xi32>
    %and3A_177 = arith.andi %bitcast_convert_type3A_168, %and3A_176 : vector<16xi32>
    %or3A_178 = arith.constant 1065353216 : i32
    %or3A_179 = vector.broadcast %or3A_178 : i32 to vector<16xi32>
    %or3A_180 = arith.ori %and3A_177, %or3A_179 : vector<16xi32>
    %bitcast_convert_type3A_181 = tpu.bitcast %or3A_180 : vector<16xi32> -> vector<16xf32>
    %sub3A_182 = arith.constant 1.000000e+00 : f32
    %sub3A_183 = vector.broadcast %sub3A_182 : f32 to vector<16xf32>
    %sub3A_184 = arith.subf %bitcast_convert_type3A_181, %sub3A_183 : vector<16xf32>
    %add3A_185 = arith.constant 1.000000e+00 : f32
    %add3A_186 = vector.broadcast %add3A_185 : f32 to vector<16xf32>
    %add3A_187 = arith.addf %bitcast_convert_type3A_181, %add3A_186 : vector<16xf32>
    %div3A_188 = arith.divf %sub3A_184, %add3A_187 : vector<16xf32>
    %mul3A_189 = arith.mulf %div3A_188, %div3A_188 : vector<16xf32>
    %mul3A_190 = arith.constant 0.111111112 : f32
    %mul3A_191 = vector.broadcast %mul3A_190 : f32 to vector<16xf32>
    %mul3A_192 = arith.mulf %mul3A_191, %mul3A_189 : vector<16xf32>
    %add3A_193 = arith.constant 0.142857149 : f32
    %add3A_194 = vector.broadcast %add3A_193 : f32 to vector<16xf32>
    %add3A_195 = arith.addf %mul3A_192, %add3A_194 : vector<16xf32>
    %mul3A_196 = arith.mulf %add3A_195, %mul3A_189 : vector<16xf32>
    %add3A_197 = arith.constant 2.000000e-01 : f32
    %add3A_198 = vector.broadcast %add3A_197 : f32 to vector<16xf32>
    %add3A_199 = arith.addf %mul3A_196, %add3A_198 : vector<16xf32>
    %mul3A_200 = arith.mulf %add3A_199, %mul3A_189 : vector<16xf32>
    %add3A_201 = arith.constant 0.333333343 : f32
    %add3A_202 = vector.broadcast %add3A_201 : f32 to vector<16xf32>
    %add3A_203 = arith.addf %mul3A_200, %add3A_202 : vector<16xf32>
    %mul3A_204 = arith.mulf %add3A_203, %mul3A_189 : vector<16xf32>
    %add3A_205 = arith.constant 1.000000e+00 : f32
    %add3A_206 = vector.broadcast %add3A_205 : f32 to vector<16xf32>
    %add3A_207 = arith.addf %mul3A_204, %add3A_206 : vector<16xf32>
    %convert_element_type3A_208 = arith.sitofp %sub3A_174 : vector<16xi32> to vector<16xf32>
    %mul3A_209 = arith.constant 0.693147182 : f32
    %mul3A_210 = vector.broadcast %mul3A_209 : f32 to vector<16xf32>
    %mul3A_211 = arith.mulf %convert_element_type3A_208, %mul3A_210 : vector<16xf32>
    %mul3A_212 = arith.constant 2.000000e+00 : f32
    %mul3A_213 = vector.broadcast %mul3A_212 : f32 to vector<16xf32>
    %mul3A_214 = arith.mulf %mul3A_213, %div3A_188 : vector<16xf32>
    %mul3A_215 = arith.mulf %mul3A_214, %add3A_207 : vector<16xf32>
    %add3A_216 = arith.addf %mul3A_211, %mul3A_215 : vector<16xf32>
    %swap3A_217 = arith.constant 48 : index
    %swap3A_218 = tpu.vector_load %arg6[%swap3A_217] {strides = array<i32>} : memref<64xf32, #tpu.memory_space<vmem>>, vector<16xf32>,
    tpu.vector_store %arg6[%swap3A_217], %add3A_216 {strides = array<i32>} : memref<64xf32, #tpu.memory_space<vmem>>, vector<16xf32>,
    %dma_wait3A = tpu.memref_slice %arg3[%mul3A_2] : memref<16384xi32, #tpu.memory_space<hbm>> -> memref<1024xi32, #tpu.memory_space<hbm>>
    %dma_wait3A_219 = tpu.memref_slice %arg3[%mul3A_2] : memref<16384xi32, #tpu.memory_space<hbm>> -> memref<1024xi32, #tpu.memory_space<hbm>>
    tpu.wait_dma2 semaphore(%arg9 : memref<!tpu.dma_semaphore, #tpu.memory_space<semaphore_mem>>) src(%dma_wait3A_219 : memref<1024xi32, #tpu.memory_space<hbm>>) dst(%arg7 : memref<1024xi32, #tpu.memory_space<vmem>>)
    %scan3A = arith.constant 0 : i32
    %scan3A_220 = arith.constant 0 : i32
    %scan3A_221 = arith.constant 64 : i32
    %scan3A_222 = arith.addi %scan3A_220, %scan3A_221 : i32
    %scan3A_223 = arith.constant 1 : i32
    scf.for %scan3A_225 = %scan3A_220 to %scan3A_222 step %scan3A_223  : i32 {
      %mul3A_226 = arith.constant 16 : i32
      %mul3A_227 = arith.muli %scan3A_225, %mul3A_226 : i32
      %get3A_228 = arith.index_cast %mul3A_227 : i32 to index
      %get3A_229 = tpu.vector_load %arg7[%get3A_228] {strides = array<i32>} : memref<1024xi32, #tpu.memory_space<vmem>>, vector<16xi32>,
      %gather3A = tpu.vector_load_idx %arg6[%get3A_229] : memref<64xf32, #tpu.memory_space<vmem>>[vector<16xi32>], vector<16xf32>,
      %mul3A_230 = arith.constant 16 : i32
      %mul3A_231 = arith.muli %scan3A_225, %mul3A_230 : i32
      %swap3A_232 = arith.index_cast %mul3A_231 : i32 to index
      %swap3A_233 = tpu.vector_load %arg8[%swap3A_232] {strides = array<i32>} : memref<1024xf32, #tpu.memory_space<vmem>>, vector<16xf32>,
      tpu.vector_store %arg8[%swap3A_232], %gather3A {strides = array<i32>} : memref<1024xf32, #tpu.memory_space<vmem>>, vector<16xf32>,
    }
    %scan3A_224 = arith.constant 64 : i32
    "tpu.region"() ({
      %run_scoped3A = tpu.sem_alloc : memref<!tpu.dma_semaphore, #tpu.memory_space<semaphore_mem>>
      %dma_start3A_225 = tpu.memref_slice %arg4[%mul3A_2] : memref<16384xf32, #tpu.memory_space<hbm>> -> memref<1024xf32, #tpu.memory_space<hbm>>
      %dma_start3A_226 = tpu.memref_slice %arg4[%mul3A_2] : memref<16384xf32, #tpu.memory_space<hbm>> -> memref<1024xf32, #tpu.memory_space<hbm>>
      tpu.enqueue_dma source(%arg8 : memref<1024xf32, #tpu.memory_space<vmem>>) target(%dma_start3A_226 : memref<1024xf32, #tpu.memory_space<hbm>>) target_semaphore(%run_scoped3A : memref<!tpu.dma_semaphore, #tpu.memory_space<semaphore_mem>>)
      %dma_wait3A_227 = tpu.memref_slice %arg4[%mul3A_2] : memref<16384xf32, #tpu.memory_space<hbm>> -> memref<1024xf32, #tpu.memory_space<hbm>>
      %dma_wait3A_228 = tpu.memref_slice %arg4[%mul3A_2] : memref<16384xf32, #tpu.memory_space<hbm>> -> memref<1024xf32, #tpu.memory_space<hbm>>
      tpu.wait_dma2 semaphore(%run_scoped3A : memref<!tpu.dma_semaphore, #tpu.memory_space<semaphore_mem>>) src(%arg8 : memref<1024xf32, #tpu.memory_space<vmem>>) dst(%dma_wait3A_228 : memref<1024xf32, #tpu.memory_space<hbm>>)
      tpu.yield
    }) : () -> ()
    return
  }
}

</mosaic_0001>

<sc_bundles>
// kernel: kernel.3.cloned.1.call-start
scs
__scs_entry_jumppad:
0x0: {  	(pc) =	sbr.rel $0x88, $3  }
0x1: {  	(tag) =	ssettag $0x0;
	lr =	simm.s32 $0x1  }
0x2: {  	[smem:$0x3F9F] =	sst lr;
	_ =	strace $0xD0000000  }
0x3: {  	_ = 	snop  }
0x4: {  	_ = 	snop  }
0x5: {  	_ = 	snop  }
0x6: {  	_ = 	snop  }
0x7: {  	_ = 	snop  }
__scs_overlays_trampoline_lowered:
0x8: {  	[smem:$0x3FAE] =	sst s0  }
0x9: {  	[smem:$0x3FAF] =	sst s1  }
0xa: {  	[smem:$0x3FB0] =	sst s2  }
0xb: {  	[smem:$0x3FB1] =	sst s3  }
0xc: {  	[smem:$0x3FB2] =	sst s4  }
0xd: {  	[smem:$0x3FB3] =	sst s5  }
0xe: {  	[smem:$0x3FB4] =	sst s6  }
0xf: {  	[smem:$0x3FB5] =	sst s7  }
0x10: {  	[smem:$0x3FB6] =	sst s8  }
0x11: {  	[smem:$0x3FB7] =	sst s9;
	s0 =	simm.s32 @!p0 $0x0  }
0x12: {  	s1 =	sld [smem:$0x3F9D];
	s0 =	simm.s32 @p0 $0x1  }
0x13: {  	[smem:$0x3FB8] =	sst s0;
	s0 =	simm.s32 @!p1 $0x0  }
0x14: {  	s2 =	sld [smem:$0x3F9C];
	s0 =	simm.s32 @p1 $0x1  }
0x15: {  	[smem:$0x3FB9] =	sst s0;
	s0 =	simm.s32 @!p2 $0x0  }
0x16: {  	s3 =	sld [smem:$0x3FDB];
	s0 =	simm.s32 @p2 $0x1  }
0x17: {  	s4 =	simm.s32 $0x1BF5;
	[smem:$0x3FBB] =	sst s0  }
0x18: {  	s0 =	sld [smem:$0x3F9E];
	_ =	swait.ge [sflag:s4], $0x0  }
0x19: {  	s7 =	sld [smem:$0x3F9F]  }
0x1a: {  	s8 =	sadd.s32 $0xFFFFE003, lr  }
0x1b: {  	s9 =	sadd.s32 $0xFFFFFEF7, lr;
	s5 =	simm.s32 $0xFFFFFFFF;
	p2 =	slt.u32 s8, $0xFFFFF086  }
0x1c: {  	p1 =	slt.u32 s9, $0xF7A;
	s5 =	simm.s32 @!p2 $0x0  }
0x1d: {  	s5 =	simm.s32 @p1 $0x1;
	p0 =	seq.s32 s7, s2  }
0x1e: {  	s7 =	smul.u32 @!p0 $0xF7A, s2;
	p2 =	seq.s32 @!p0 s5, $0x0  }
0x1f: {  	s9 =	smul.u32 $0xF7A, s1;
	s8 =	simm.s32 @!p0 $0x1BF5;
	p2 =	por !p2, p0  }
0x20: {  	[sflag:s8] =	ssyncset.s32 @!p0 $0xFFFFF086;
	s6 =	sadd.s32 @!p0 s3, s7;
	s7 =	simm.s32 @!p0 $0x108  }
0x21: {  	s3 =	sadd.s32 s3, s9;
	s6 =	sadd.s32 @!p0 $0x88, s6;
	s7 =	simm.s32 @p2 $0x1082  }
0x22: {  	[simem:s7], [sflag:s8] =	dma.local @!p0 [hbm:s6], $0xF7A  }
0x23: {  	s9 =	sor.u32 $0xD0000000, s2;
	s6 =	simm.s32 $0x108;
	_ =	swait.ge @!p0 [sflag:s8], $0x0  }
0x24: {  	s3 =	sadd.s32 $0x88, s3;
	s6 =	simm.s32 @!p1 $0x1082;
	[sflag:s4] =	ssyncset.s32 $0xFFFFF086  }
0x25: {  	[simem:s6], [sflag:s4] =	dma.local [hbm:s3], $0xF7A  }
0x26: {  	[smem:$0x3F9F] =	sst s1;
	(tag) =	ssettag s2;
	_ =	strace s9  }
0x27: {  	s1 =	sld [smem:$0x3FAF]  }
0x28: {  	s2 =	sld [smem:$0x3FB0]  }
0x29: {  	s4 =	sld [smem:$0x3FB2]  }
0x2a: {  	p0 =	seq.s32 s5, $0x0;
	s5 =	sld [smem:$0x3FB3]  }
0x2b: {  	s6 =	sld [smem:$0x3FB4]  }
0x2c: {  	s7 =	sld [smem:$0x3FB5]  }
0x2d: {  	s3 =	simm.s32 $0x108;
	s8 =	sld [smem:$0x3FB6]  }
0x2e: {  	s3 =	simm.s32 @!p0 $0x1082;
	s9 =	sld [smem:$0x3FB7]  }
0x2f: {  	lr =	sadd.s32 s0, s3;
	s0 =	sld [smem:$0x3FAE]  }
0x30: {  	s3 =	sld [smem:$0x3FB1]  }
0x31: {  	[smem:$0x3FBA] =	sst s10  }
0x32: {  	s10 =	sld [smem:$0x3FB8];
	_ =	sdelay $0x3  }
0x33: {  	p0 =	seq.s32 s10, $0x1;
	s10 =	sld [smem:$0x3FBA];
	_ =	sdelay $0x3  }
0x34: {  	[smem:$0x3FBA] =	sst s10  }
0x35: {  	s10 =	sld [smem:$0x3FB9];
	_ =	sdelay $0x3  }
0x36: {  	p1 =	seq.s32 s10, $0x1;
	s10 =	sld [smem:$0x3FBA];
	_ =	sdelay $0x3  }
0x37: {  	[smem:$0x3FBA] =	sst s10  }
0x38: {  	s10 =	sld [smem:$0x3FBB]  }
0x39: {  	_ = 	snop;
	(pc) =	sbr.ind lr, $3  }
0x3a: {  	_ = 	snop  }
0x3b: {  	_ = 	snop  }
0x3c: {  	p2 =	seq.s32 s10, $0x1;
	s10 =	sld [smem:$0x3FBA]  }
0x3d: {  	_ =	shalt  }
0x3e: {  	_ =	shalt  }
0x3f: {  	_ =	shalt  }
0x40: {  	_ =	shalt  }
0x41: {  	_ =	shalt  }
0x42: {  	_ =	shalt  }
0x43: {  	_ =	shalt  }
0x44: {  	_ =	shalt  }
0x45: {  	_ =	shalt  }
0x46: {  	_ =	shalt  }
0x47: {  	_ =	shalt  }
0x48: {  	_ =	shalt  }
0x49: {  	_ =	shalt  }
0x4a: {  	_ =	shalt  }
0x4b: {  	_ =	shalt  }
0x4c: {  	_ =	shalt  }
0x4d: {  	_ =	shalt  }
0x4e: {  	_ =	shalt  }
0x4f: {  	_ =	shalt  }
0x50: {  	_ =	shalt  }
0x51: {  	_ =	shalt  }
0x52: {  	_ =	shalt  }
0x53: {  	_ =	shalt  }
0x54: {  	_ =	shalt  }
0x55: {  	_ =	shalt  }
0x56: {  	_ =	shalt  }
0x57: {  	_ =	shalt  }
0x58: {  	_ =	shalt  }
0x59: {  	_ =	shalt  }
0x5a: {  	_ =	shalt  }
0x5b: {  	_ =	shalt  }
0x5c: {  	_ =	shalt  }
0x5d: {  	_ =	shalt  }
0x5e: {  	_ =	shalt  }
0x5f: {  	_ =	shalt  }
0x60: {  	_ =	shalt  }
0x61: {  	_ =	shalt  }
0x62: {  	_ =	shalt  }
0x63: {  	_ =	shalt  }
0x64: {  	_ =	shalt  }
0x65: {  	_ =	shalt  }
0x66: {  	_ =	shalt  }
0x67: {  	_ =	shalt  }
0x68: {  	_ =	shalt  }
0x69: {  	_ =	shalt  }
0x6a: {  	_ =	shalt  }
0x6b: {  	_ =	shalt  }
0x6c: {  	_ =	shalt  }
0x6d: {  	_ =	shalt  }
0x6e: {  	_ =	shalt  }
0x6f: {  	_ =	shalt  }
0x70: {  	_ =	shalt  }
0x71: {  	_ =	shalt  }
0x72: {  	_ =	shalt  }
0x73: {  	_ =	shalt  }
0x74: {  	_ =	shalt  }
0x75: {  	_ =	shalt  }
0x76: {  	_ =	shalt  }
0x77: {  	_ =	shalt  }
0x78: {  	_ =	shalt  }
0x79: {  	_ =	shalt  }
0x7a: {  	_ =	shalt  }
0x7b: {  	_ =	shalt  }
0x7c: {  	_ =	shalt  }
0x7d: {  	_ =	shalt  }
0x7e: {  	_ =	shalt  }
0x7f: {  	_ =	shalt  }
0x80: {  	_ =	shalt  }
0x81: {  	_ =	shalt  }
0x82: {  	_ =	shalt  }
0x83: {  	_ =	shalt  }
0x84: {  	_ =	shalt  }
0x85: {  	_ =	shalt  }
0x86: {  	_ =	shalt  }
0x87: {  	_ =	shalt  }
.Lfunc_end0:
.L_simem_size_0:
called_computation_lowered:
.L_overlay_start_0:
0x88: {  	s0 =	sld [smem:$0x3FD9]  }
0x89: {  	s1 =	sld [smem:$0x3FFE];
	_ =	sdelay $0x3  }
0x8a: {  	s0 =	sadd.s32 s1, s0  }
0x8b: {  	[smem:$0x3FC6] =	sst s0  }
0x8c: {  	_ = 	snop  }
0x8d: {  	s0 =	sld [smem:$0x3FC9]  }
0x8e: {  	s17 =	sld [smem:$0x3FC8]  }
0x8f: {  	s2 =	sld [smem:$0x3FD0];
	(tm) =	ssettm $0x1  }
0x90: {  	s3 =	sld [smem:$0x3FFB];
	_ =	sdelay $0x3  }
0x91: {  	_ =	strace s3  }
0x92: {  	s3 =	sld [smem:$0x3FFC];
	_ =	sdelay $0x3  }
0x93: {  	_ =	strace s3  }
0x94: {  	s3 =	sld [smem:$0x3FFD];
	_ =	sdelay $0x3  }
0x95: {  	_ =	strace s3  }
0x96: {  	_ =	strace $0x8FFFFFFF  }
0x97: {  	s18 =	sld [smem:$0x3FDB];
	_ =	sdelay $0x1  }
0x98: {  	s4 =	simm.s32 $_scs_section_size  }
0x99: {  	s5 =	simm.s32 $_size__tile_overlayer_lowered;
	s6 =	simm.s32 $_tile_overlayer_lowered  }
0x9a: {  	s21 =	simm.s32 $0x1BFF;
	s20 =	sshll.u32 s6, $0x1;
	s3 =	sadd.s32 s4, s18  }
0x9b: {  	s7 =	simm.s32 $0x0;
	s19 =	sshll.u32 s5, $0x1;
	s5 =	sadd.s32 s20, s3  }
0x9c: {  	[timem:s7], [sflag:s21] =	dma.local [hbm:s5], s19  }
0x9d: {  	_ =	swait.ge [sflag:s21], s19  }
0x9e: {  	s4 =	ssub.s32 $0x0, s19;
	[sflag:s21] =	ssyncset.done $0x0  }
0x9f: {  	[sflag:s21] =	ssyncadd.s32 s4;
	_ =	sdelay $0x1  }
0xa0: {  	s22 =	simm.s32 $0x1B8B  }
0xa1: {  	_ =	swait.ge [sflag:s22], $0x1  }
0xa2: {  	[sflag:s22] =	ssyncset.done $0x0  }
0xa3: {  	s23 =	simm.s32 $0x1B8E;
	[sflag:s22] =	ssyncadd.s32 $0xFFFFFFFF  }
0xa4: {  	s24 =	simm.s32 $execute0_lowered;
	[smem:$0x3FD2] =	sst s23  }
0xa5: {  	s4 =	sshll.u32 s24, $0x1;
	_ =	strace $0x80000046;
	[dreg:$0x1] =	wrdreg $0xFFFFFFFF  }
0xa6: {  	s25 =	simm.s32 $_size_execute0_lowered;
	s3 =	sadd.s32 s3, s4;
	[dreg:$0x0] =	wrdreg $0x0  }
0xa7: {  	s4 =	sshll.u32 s25, $0x1;
	[dreg:$0x2] =	wrdreg s3  }
0xa8: {  	[dreg:$0x3] =	wrdreg s4  }
0xa9: {  	[dreg:$0x4] =	wrdreg $0xC0  }
0xaa: {  	_ =	task [dreg:s7], $0x5FFFF  }
0xab: {  	[dreg:$0x1] =	wrdreg $0xFFFFFFFF  }
0xac: {  	[dreg:$0x0] =	wrdreg $0x60  }
0xad: {  	[dreg:$0x2] =	wrdreg s0  }
0xae: {  	[dreg:$0x3] =	wrdreg s17  }
0xaf: {  	[dreg:$0x4] =	wrdreg s2  }
0xb0: {  	[dreg:$0x5] =	wrdreg $0x9  }
0xb1: {  	_ =	task.clear_ibuf [dreg:s7], $0x6FFFF;
	_ =	strace $0x90000046  }
0xb2: {  	s26 =	simm.s32 $0x9;
	_ =	strace $0x80000048  }
0xb3: {  	_ =	swait.ge [sflag:s26], $0x1  }
0xb4: {  	[sflag:s26] =	ssyncadd.s32 $0xFFFFFFFF  }
0xb5: {  	_ =	strace $0x90000048  }
0xb6: {  	_ =	sfence  }
0xb7: {  	s28 =	sld [smem:$0x0];
	_ =	sdelay $0x1  }
0xb8: {  	s29 =	srdreg.scid  }
0xb9: {  	s30 =	sshll.u32 s29, $0xD;
	s31 =	sshrl.u32 s29, $0x2  }
0xba: {  	s1 =	sand.u32 $0x1, s29;
	s2 =	sand.u32 $0x4000, s30;
	s0 =	sadd.s32 s31, s28  }
0xbb: {  	s1 =	sor.u32 s2, s1;
	s0 =	sshll.u32 s0, $0x11  }
0xbc: {  	s0 =	sor.u32 s0, s1  }
0xbd: {  	s0 =	sadd.s32 $0x8F2B, s0  }
0xbe: {  	[sflag:s0] =	ssyncadd.remote.s32 $0x1  }
0xbf: {  	_ =	sfence.sel $0xFFFF  }
0xc0: {  	[dreg:$0x0] =	wrdreg $0xFFFFFFFF;
	(pc) =	sbr.abs _section_cstart, $3  }
0xc1: {  	[dreg:$0x1] =	wrdreg $0xFFFFFFFF  }
0xc2: {  	_ =	task.clear_ibuf [dreg:s7], $0x2FFFF;
	_ =	strace $0x9FFFFFFF  }
0xc3: {  	(tm) =	ssettm $0x7FFFFFFF  }
tec
execute0_lowered:
.L_overlay_start_1:
0x0: {  	(tag) =	ssettag $0x1  }
0x1: {  	s4 =	rddreg [dreg:$0x0]  }
0x2: {  	s5 =	rddreg [dreg:$0x1]  }
0x3: {  	s2 =	rddreg [dreg:$0x2]  }
0x4: {  	s0 =	rddreg [dreg:$0x3];
	s6 =	simm.s32 $0x0;
	s1 =	stileid.u32  }
0x5: {  	[smem:$0x7FF] =	sst s6;
	s3 =	sshll.u32 s1, $0x7  }
0x6: {  	s7 =	simm.s32 $0x100;
	_ =	strace $0x80000047;
	s5 =	sadd.s32 s5, s3  }
0x7: {  	[tilespmem:s7], [sflag:$0x1] =	stream.linear.gather [hbm4b:s5+s6], $0x400, $0x38;
	[tilespmem:$0x900] =	vst v63  }
0x8: {  	s30 =	simm.s32 $0x2  }
0x9: {  	[tilespmem:s6], [sflag:$0x2] =	stream.linear.gather [hbm4b:s4+s6], $0x32, $0x38;
	[tilespmem:$0x900] =	vst v63  }
0xa: {  	_ =	swait.ge [sflag:s30], $0x32  }
0xb: {  	[sflag:s30] =	ssyncset.done $0x0  }
0xc: {  	[sflag:s30] =	ssyncadd.s32 $0xFFFFFFCE  }
0xd: {  	v0 =	vld [tilespmem:$0x0];
	_ =	sdelay $0x4  }
0xe: {  	v0 =	vadd.f32 $1.000000000e-30, v0;
	_ =	sdelay $0x1  }
0xf: {  	v1 =	vld [tilespmem:$0x10];
	v2 =	vand.u32 $0x7FFFFF, v0  }
0x10: {  	v3 =	vld [tilespmem:$0x20];
	v2 =	vor.u32 $0x3F800000, v2  }
0x11: {  	v6 =	vld [tilespmem:$0x30];
	v4 =	vadd.f32 $1.000000000e+00, v2;
	_ =	sdelay $0x1  }
0x12: {  	(erf) = vrcp.f32 v4  }
0x13: {  	v1 =	vadd.f32 $1.000000000e-30, v1  }
0x14: {  	v3 =	vadd.f32 $1.000000000e-30, v3  }
0x15: {  	v47 =	vadd.f32 $1.000000000e-30, v6;
	v5 =	vand.u32 $0x7FFFFF, v1  }
0x16: {  	v48 =	vand.u32 $0x7FFFFF, v3;
	v5 =	vor.u32 $0x3F800000, v5  }
0x17: {  	v7 =	vand.u32 $0x7FFFFF, v47;
	v6 =	vor.u32 $0x3F800000, v48;
	v46 =	vadd.f32 $1.000000000e+00, v5  }
0x18: {  	v7 =	vor.u32 $0x3F800000, v7;
	v8 =	vadd.f32 $1.000000000e+00, v6  }
0x19: {  	v9 =	vadd.f32 $1.000000000e+00, v7;
	(erf) = vrcp.f32 v46  }
0x1a: {  	(erf) = vrcp.f32 v8  }
0x1b: {  	v49 =	vpop (erf);
	(erf) = vrcp.f32 v9;
	_ =	sdelay $0x2  }
0x1c: {  	v2 =	vadd.f32 $-1.000000000e+00, v2;
	_ =	sdelay $0x1  }
0x1d: {  	v2 =	vmul.f32 v49, v2  }
0x1e: {  	v5 =	vadd.f32 $-1.000000000e+00, v5  }
0x1f: {  	v6 =	vadd.f32 $-1.000000000e+00, v6;
	v50 =	vpop (erf);
	v51 =	vmul.f32 v2, v2  }
0x20: {  	v7 =	vadd.f32 $-1.000000000e+00, v7;
	v5 =	vmul.f32 v50, v5;
	v12 =	vpop (erf)  }
0x21: {  	v6 =	vmul.f32 v12, v6;
	v52 =	vmul.f32 $1.111111120e-01, v51;
	v13 =	vpop (erf)  }
0x22: {  	v10 =	vmul.f32 v5, v5;
	v7 =	vmul.f32 v13, v7  }
0x23: {  	v0 =	vshra.s32 v0, $0x17;
	v12 =	vmul.f32 v6, v6;
	v8 =	vadd.f32 $1.428571490e-01, v52  }
0x24: {  	v1 =	vshra.s32 v1, $0x17;
	v11 =	vmul.f32 $1.111111120e-01, v10;
	v13 =	vmul.f32 v7, v7  }
0x25: {  	v3 =	vshra.s32 v3, $0x17;
	v14 =	vmul.f32 $1.111111120e-01, v12;
	v8 =	vmul.f32 v8, v51  }
0x26: {  	v0 =	vadd.s32 $0xFFFFFF81, v0;
	v11 =	vadd.f32 $1.428571490e-01, v11;
	v15 =	vmul.f32 $1.111111120e-01, v13  }
0x27: {  	v1 =	vadd.s32 $0xFFFFFF81, v1;
	v14 =	vadd.f32 $1.428571490e-01, v14;
	v8 =	vadd.f32 $2.000000030e-01, v8  }
0x28: {  	v0 =	vcvt.s32.f32 v0;
	v11 =	vmul.f32 v11, v10;
	v15 =	vadd.f32 $1.428571490e-01, v15  }
0x29: {  	v3 =	vadd.s32 $0xFFFFFF81, v3;
	v54 =	vmul.f32 v14, v12;
	v8 =	vmul.f32 v8, v51  }
0x2a: {  	v1 =	vcvt.s32.f32 v1;
	v11 =	vadd.f32 $2.000000030e-01, v11;
	v55 =	vmul.f32 v15, v13  }
0x2b: {  	v3 =	vcvt.s32.f32 v3;
	v56 =	vadd.f32 $2.000000030e-01, v54;
	v8 =	vadd.f32 $3.333333430e-01, v8  }
0x2c: {  	v0 =	vmul.f32 $6.931471820e-01, v0;
	v11 =	vmul.f32 v11, v10;
	v57 =	vadd.f32 $2.000000030e-01, v55  }
0x2d: {  	v59 =	vmul.f32 v56, v12;
	v8 =	vmul.f32 v8, v51  }
0x2e: {  	v2 =	vadd.f32 v2, v2;
	v53 =	vadd.f32 $3.333333430e-01, v11;
	v60 =	vmul.f32 v57, v13  }
0x2f: {  	v1 =	vmul.f32 $6.931471820e-01, v1;
	v61 =	vadd.f32 $3.333333430e-01, v59;
	v8 =	vadd.f32 $1.000000000e+00, v8  }
0x30: {  	v4 =	vshra.s32 v47, $0x17;
	v9 =	vmul.f32 v53, v10;
	v62 =	vadd.f32 $3.333333430e-01, v60  }
0x31: {  	v4 =	vadd.s32 $0xFFFFFF81, v4;
	v2 =	vmul.f32 v8, v2;
	v8 =	vmul.f32 v61, v12  }
0x32: {  	v5 =	vadd.f32 v5, v5;
	v58 =	vadd.f32 $1.000000000e+00, v9;
	v9 =	vmul.f32 v62, v13  }
0x33: {  	v4 =	vcvt.s32.f32 v4;
	v6 =	vadd.f32 v6, v6;
	v8 =	vadd.f32 $1.000000000e+00, v8  }
0x34: {  	v7 =	vadd.f32 v7, v7;
	v5 =	vmul.f32 v58, v5;
	v9 =	vadd.f32 $1.000000000e+00, v9  }
0x35: {  	v3 =	vmul.f32 $6.931471820e-01, v3;
	v0 =	vadd.f32 v2, v0;
	v2 =	vmul.f32 v8, v6  }
0x36: {  	v4 =	vmul.f32 $6.931471820e-01, v4;
	v1 =	vadd.f32 v5, v1;
	v63 =	vmul.f32 v9, v7  }
0x37: {  	[tilespmem:$0x80] =	vst v0;
	v0 =	vadd.f32 v2, v3  }
0x38: {  	[tilespmem:$0x90] =	vst v1;
	v1 =	vadd.f32 v63, v4  }
0x39: {  	[tilespmem:$0xA0] =	vst v0  }
0x3a: {  	s31 =	simm.s32 $0x1;
	[tilespmem:$0xB0] =	vst v1  }
0x3b: {  	_ =	swait.ge [sflag:s31], $0x400  }
0x3c: {  	[sflag:s31] =	ssyncset.done $0x0  }
0x3d: {  	s4 =	simm.s32 $0x0;
	[sflag:s31] =	ssyncadd.s32 $0xFFFFFC00  }
0x3e: {  	v0 =	vld [tilespmem:s4+$0x100];
	_ =	sdelay $0x6  }
0x3f: {  	s5 =	simm.s32 $0x80  }
0x40: {  	s7 =	simm.s32 $0x80;
	s6 =	simm.s32 $0x10;
	v0 =	vld.idx.msk [tilespmem:v0+s5+$0x0], $0xffff  }
.LBB2_1:
0x41: {  	p0 =	sne.s32 s7, $0xFC0;
	v1 =	vld [tilespmem:s6+$0x100];
	_ =	sdelay $0x3  }
.Ltmp0:
0x42: {  	(pc) =	sbr.rel @p0 .LBB2_1-.Ltmp0, $2  }
0x43: {  	[tilespmem:s4+$0x500] =	vst v0;
	s4 =	smov.u32 s6;
	_ =	sdelay $0x2  }
0x44: {  	s6 =	sshra.s32 s7, $0x2;
	s7 =	sadd.s32 $0x40, s7;
	v0 =	vld.idx.msk [tilespmem:v1+s5+$0x0], $0xffff  }
0x45: {  	v1 =	vld [tilespmem:s6+$0x100];
	_ =	sdelay $0x6  }
0x46: {  	[tilespmem:s4+$0x500] =	vst v0  }
0x47: {  	v0 =	vld.idx.msk [tilespmem:v1+s5+$0x0], $0xffff;
	_ =	sdelay $0x3  }
0x48: {  	s2 =	sadd.s32 s2, s3  }
0x49: {  	s29 =	simm.s32 $0x0;
	s30 =	simm.s32 $0x500;
	s31 =	simm.s32 $0x2;
	[tilespmem:s6+$0x500] =	vst v0  }
0x4a: {  	[hbm4b:s2+s29] =	stream.linear.scatter [tilespmem:s30], [sflag:$0x2], $0x400, $0x38;
	[tilespmem:$0x900] =	vst v63  }
0x4b: {  	_ =	swait.ge [sflag:s31], $0x400  }
0x4c: {  	[sflag:s31] =	ssyncset.done $0x0  }
0x4d: {  	[sflag:s31] =	ssyncadd.s32 $0xFFFFFC00  }
0x4e: {  	_ =	sfence.sel $0x180000  }
0x4f: {  	[bflag:$0x0] =	sbarrier.arrive $0xFFFF  }
0x50: {  	p0 =	sne.s32 s1, $0x0;
	_ =	strace $0x90000047  }
0x51: {  	s0 =	sadd.s32 @!p0 $0x100000, s0;
	[bflag:$0x2] =	sbarrier.arrive $0xFFFF  }
0x52: {  	[sflag:s0] =	ssyncadd.tile.s32 @!p0 $0x1;
	_ =	shalt  }
.Lfunc_end2:
_tile_overlayer_lowered:
.L_overlay_start_2:
0x53: {  	(tag) =	ssettag $0x2  }
0x54: {  	s0 =	rddreg [dreg:$0x0];
	s2 =	stileid.u32  }
0x55: {  	s1 =	rddreg [dreg:$0x1];
	p0 =	sne.s32 s2, $0x0  }
0x56: {  	s3 =	rddreg [dreg:$0x2];
	[bflag:$0x3] =	sbarrier.arrive $0xFFFF;
	s2 =	simm.s32 @!p0 $0x1C02  }
0x57: {  	[timem:s3], [sflag:s2] =	dma.local @!p0 [hbm:s0], s1  }
0x58: {  	s0 =	simm.s32 @!p0 $0x2  }
0x59: {  	_ =	swait.ge @!p0 [sflag:s0], s1  }
0x5a: {  	s1 =	ssub.s32 @!p0 $0x0, s1;
	[sflag:s0] =	ssyncset.done @!p0 $0x0  }
0x5b: {  	[sflag:s0] =	ssyncadd.s32 @!p0 s1  }
0x5c: {  	[bflag:$0x3] =	sbarrier.arrive $0xFFFF  }
0x5d: {  	_ =	shalt  }

</sc_bundles>
